<compile_context>
chip_gen: v7x
topology: tpu7x:2x2x1
jax: 0.10.2.dev20260603
libtpu: 0.0.44.dev20260713+nightly
codegen_flags: <defaults>
</compile_context>

<pallas_src>
import functools

import jax
import jax.numpy as jnp
from jax import lax
from jax.experimental import pallas as pl
from jax.experimental.pallas import tpu as pltpu
from jax.experimental.pallas import tpu_sc as plsc

NUM_ROWS = 1000000
DIM = 32
NUM_CORES = 2
NUM_SUBCORES = 16
NUM_WORKERS = NUM_CORES * NUM_SUBCORES
ROW_GROUPS = 4
GROUP_ROWS = DIM // ROW_GROUPS
COL_RANGES = NUM_WORKERS // ROW_GROUPS
COLS_PER_RANGE = 124928
CHUNK = 7808
PAIRS = COLS_PER_RANGE // (2 * CHUNK)
TAIL_BASE = COL_RANGES * COLS_PER_RANGE
TAIL = NUM_ROWS - TAIL_BASE


@functools.partial(
    pl.kernel,
    out_type=jax.ShapeDtypeStruct((DIM, NUM_ROWS), jnp.float32),
    mesh=plsc.VectorSubcoreMesh(core_axis_name="c", subcore_axis_name="s"),
    scratch_types=[
        pltpu.VMEM((GROUP_ROWS, CHUNK), jnp.float32),
        pltpu.VMEM((GROUP_ROWS, CHUNK), jnp.float32),
        pltpu.VMEM((GROUP_ROWS, TAIL), jnp.float32),
        pltpu.SemaphoreType.DMA,
        pltpu.SemaphoreType.DMA,
        pltpu.SemaphoreType.DMA,
        pltpu.SemaphoreType.DMA,
    ],
)
def _copy_table_t(emb, out, buf0, buf1, tailbuf, si0, si1, so0, so1):
    wid = lax.axis_index("s") * NUM_CORES + lax.axis_index("c")
    row0 = (wid // COL_RANGES) * GROUP_ROWS
    col0 = (wid % COL_RANGES) * COLS_PER_RANGE

    def src(i):
        return emb.at[pl.ds(row0, GROUP_ROWS), pl.ds(col0 + i * CHUNK, CHUNK)]

    def dst(i):
        return out.at[pl.ds(row0, GROUP_ROWS), pl.ds(col0 + i * CHUNK, CHUNK)]

    def body(g, carry):
        i0 = 2 * g
        i1 = i0 + 1

        @pl.when(g > 0)
        def _():
            pltpu.make_async_copy(buf0, dst(i0), so0).wait()
            pltpu.make_async_copy(buf1, dst(i1), so1).wait()

        in0 = pltpu.async_copy(src(i0), buf0, si0)
        in1 = pltpu.async_copy(src(i1), buf1, si1)
        in0.wait()
        pltpu.async_copy(buf0, dst(i0), so0)
        in1.wait()
        pltpu.async_copy(buf1, dst(i1), so1)
        return carry

    lax.fori_loop(0, PAIRS, body, 0)
    pltpu.make_async_copy(buf0, dst(0), so0).wait()
    pltpu.make_async_copy(buf1, dst(1), so1).wait()

    @pl.when(wid % COL_RANGES == COL_RANGES - 1)
    def _():
        pltpu.sync_copy(
            emb.at[pl.ds(row0, GROUP_ROWS), pl.ds(TAIL_BASE, TAIL)],
            tailbuf,
        )
        pltpu.sync_copy(
            tailbuf,
            out.at[pl.ds(row0, GROUP_ROWS), pl.ds(TAIL_BASE, TAIL)],
        )


def kernel(inp, embedding):
    del inp
    out_t = _copy_table_t(jnp.swapaxes(embedding, 0, 1))
    return jnp.swapaxes(out_t, 0, 1)

# --- scband reference (transcript-rebuilt; emitter-appended) ---
"""Pipeline reference for scband-default-flax-embedding-module-44135083933774 (READ-ONLY COPY).

The authoritative reference and input builder live on the scoring server;
editing this copy changes nothing except your own understanding.
"""

import jax, jax.numpy as jnp
import numpy as np

NUM_EMBEDDINGS = 1000000
EMBEDDING_DIM = 32

def setup_inputs(seed: int = 0) -> dict:
    key = jax.random.key(seed)
    k_emb, _ = jax.random.split(key)
    # nn.Embed default init: variance_scaling-like normal; use scaled normal init
    embedding = jax.random.normal(k_emb, (NUM_EMBEDDINGS, EMBEDDING_DIM), dtype=jnp.float32) * (1.0 / jnp.sqrt(EMBEDDING_DIM))
    inp = jnp.zeros((1,), dtype=jnp.int64)
    return {"inp": inp, "embedding": embedding}

def reference(inp, embedding):
    # DefaultFlaxEmbeddingModule.__call__: ignores inp, looks up the full table
    indices = jnp.arange(0, NUM_EMBEDDINGS)
    return jnp.take(embedding, indices, axis=0)

if __name__ == "__main__":
    import jax
    _d = setup_inputs()
    print(jax.jit(kernel)(*tuple(_d.values())))

</pallas_src>

<mosaic_0001>
#map = affine_map<(d0, d1) -> (0, 0)>
module attributes {stable_mosaic.version = 14 : i64} {
  func.func @_copy_table_t(%arg0: i32, %arg1: i32, %arg2: memref<32x1000000xf32, #tpu.memory_space<hbm>>, %arg3: memref<32x1000000xf32, #tpu.memory_space<hbm>>, %arg4: memref<8x7808xf32, #tpu.memory_space<vmem>>, %arg5: memref<8x7808xf32, #tpu.memory_space<vmem>>, %arg6: memref<8x576xf32, #tpu.memory_space<vmem>>, %arg7: memref<!tpu.dma_semaphore, #tpu.memory_space<semaphore_mem>>, %arg8: memref<!tpu.dma_semaphore, #tpu.memory_space<semaphore_mem>>, %arg9: memref<!tpu.dma_semaphore, #tpu.memory_space<semaphore_mem>>, %arg10: memref<!tpu.dma_semaphore, #tpu.memory_space<semaphore_mem>>) attributes {dimension_semantics = [#tpu.dimension_semantics<core_parallel>, #tpu.dimension_semantics<subcore_parallel>], iteration_bounds = array<i64: 2, 16>, scalar_prefetch = 0 : i64, scratch_operands = 7 : i64, tpu.core_type = #tpu.core_type<sc_vector_subcore>, window_params = [{transform_indices = #map}, {transform_indices = #map}]} {
    %mul3A = arith.constant 2 : i32
    %mul3A_0 = arith.muli %arg1, %mul3A : i32
    %add3A = arith.addi %mul3A_0, %arg0 : i32
    %jit3A = arith.constant 8 : i32
    %div3A = arith.divsi %add3A, %jit3A : i32
    %sign3A = arith.constant 0 : i32
    %sign3A_1 = arith.cmpi sgt, %add3A, %sign3A : i32
    %sign3A_2 = arith.extui %sign3A_1 : i1 to i32
    %sign3A_3 = arith.constant 0 : i32
    %sign3A_4 = arith.cmpi slt, %add3A, %sign3A_3 : i32
    %sign3A_5 = arith.extui %sign3A_4 : i1 to i32
    %sign3A_6 = arith.subi %sign3A_2, %sign3A_5 : i32
    %sign3A_7 = arith.constant 0 : i32
    %sign3A_8 = arith.cmpi sgt, %jit3A, %sign3A_7 : i32
    %sign3A_9 = arith.extui %sign3A_8 : i1 to i32
    %sign3A_10 = arith.constant 0 : i32
    %sign3A_11 = arith.cmpi slt, %jit3A, %sign3A_10 : i32
    %sign3A_12 = arith.extui %sign3A_11 : i1 to i32
    %sign3A_13 = arith.subi %sign3A_9, %sign3A_12 : i32
    %ne3A = arith.cmpi ne, %sign3A_6, %sign3A_13 : i32
    %rem3A = arith.remsi %add3A, %jit3A : i32
    %ne3A_14 = arith.constant 0 : i32
    %ne3A_15 = arith.cmpi ne, %rem3A, %ne3A_14 : i32
    %and3A = arith.andi %ne3A, %ne3A_15 : i1
    %sub3A = arith.constant 1 : i32
    %sub3A_16 = arith.subi %div3A, %sub3A : i32
    %select_n3A = arith.select %and3A, %sub3A_16, %div3A : i32
    %mul3A_17 = arith.constant 8 : i32
    %mul3A_18 = arith.muli %select_n3A, %mul3A_17 : i32
    %jit3A_19 = arith.constant 8 : i32
    %eq3A = arith.constant 0 : i32
    %eq3A_20 = arith.cmpi eq, %jit3A_19, %eq3A : i32
    %jit3A_21 = arith.constant 1 : i32
    %select_n3A_22 = arith.select %eq3A_20, %jit3A_21, %jit3A_19 : i32
    %rem3A_23 = arith.remsi %add3A, %select_n3A_22 : i32
    %ne3A_24 = arith.constant 0 : i32
    %ne3A_25 = arith.cmpi ne, %rem3A_23, %ne3A_24 : i32
    %lt3A = arith.constant 0 : i32
    %lt3A_26 = arith.cmpi slt, %rem3A_23, %lt3A : i32
    %lt3A_27 = arith.constant 0 : i32
    %lt3A_28 = arith.cmpi slt, %select_n3A_22, %lt3A_27 : i32
    %ne3A_29 = arith.xori %lt3A_26, %lt3A_28 : i1
    %and3A_30 = arith.andi %ne3A_29, %ne3A_25 : i1
    %add3A_31 = arith.addi %rem3A_23, %select_n3A_22 : i32
    %select_n3A_32 = arith.select %and3A_30, %add3A_31, %rem3A_23 : i32
    %mul3A_33 = arith.constant 124928 : i32
    %mul3A_34 = arith.muli %select_n3A_32, %mul3A_33 : i32
    %scan3A = arith.constant 0 : i32
    %scan3A_35 = arith.constant 0 : i32
    %scan3A_36 = arith.constant 8 : i32
    %scan3A_37 = arith.addi %scan3A_35, %scan3A_36 : i32
    %scan3A_38 = arith.constant 1 : i32
    scf.for %scan3A_66 = %scan3A_35 to %scan3A_37 step %scan3A_38  : i32 {
      %mul3A_67 = arith.constant 2 : i32
      %mul3A_68 = arith.muli %mul3A_67, %scan3A_66 : i32
      %add3A_69 = arith.constant 1 : i32
      %add3A_70 = arith.addi %mul3A_68, %add3A_69 : i32
      %gt3A = arith.constant 0 : i32
      %gt3A_71 = arith.cmpi sgt, %scan3A_66, %gt3A : i32
      %convert_element_type3A_72 = arith.extui %gt3A_71 : i1 to i32
      %cond3A_73 = arith.constant 0 : i32
      %cond3A_74 = arith.cmpi ne, %convert_element_type3A_72, %cond3A_73 : i32
      scf.if %cond3A_74 {
        %mul3A_98 = arith.constant 7808 : i32
        %mul3A_99 = arith.muli %mul3A_68, %mul3A_98 : i32
        %add3A_100 = arith.addi %mul3A_34, %mul3A_99 : i32
        %dma_wait3A_101 = tpu.memref_slice %arg3[%mul3A_18, %add3A_100] : memref<32x1000000xf32, #tpu.memory_space<hbm>> -> memref<8x7808xf32, #tpu.memory_space<hbm>>
        %dma_wait3A_102 = tpu.memref_slice %arg3[%mul3A_18, %add3A_100] : memref<32x1000000xf32, #tpu.memory_space<hbm>> -> memref<8x7808xf32, #tpu.memory_space<hbm>>
        tpu.wait_dma2 semaphore(%arg9 : memref<!tpu.dma_semaphore, #tpu.memory_space<semaphore_mem>>) src(%arg4 : memref<8x7808xf32, #tpu.memory_space<vmem>>) dst(%dma_wait3A_102 : memref<8x7808xf32, #tpu.memory_space<hbm>>)
        %mul3A_103 = arith.constant 7808 : i32
        %mul3A_104 = arith.muli %add3A_70, %mul3A_103 : i32
        %add3A_105 = arith.addi %mul3A_34, %mul3A_104 : i32
        %dma_wait3A_106 = tpu.memref_slice %arg3[%mul3A_18, %add3A_105] : memref<32x1000000xf32, #tpu.memory_space<hbm>> -> memref<8x7808xf32, #tpu.memory_space<hbm>>
        %dma_wait3A_107 = tpu.memref_slice %arg3[%mul3A_18, %add3A_105] : memref<32x1000000xf32, #tpu.memory_space<hbm>> -> memref<8x7808xf32, #tpu.memory_space<hbm>>
        tpu.wait_dma2 semaphore(%arg10 : memref<!tpu.dma_semaphore, #tpu.memory_space<semaphore_mem>>) src(%arg5 : memref<8x7808xf32, #tpu.memory_space<vmem>>) dst(%dma_wait3A_107 : memref<8x7808xf32, #tpu.memory_space<hbm>>)
      } else {
      }
      %mul3A_75 = arith.constant 7808 : i32
      %mul3A_76 = arith.muli %mul3A_68, %mul3A_75 : i32
      %add3A_77 = arith.addi %mul3A_34, %mul3A_76 : i32
      %dma_start3A = tpu.memref_slice %arg2[%mul3A_18, %add3A_77] : memref<32x1000000xf32, #tpu.memory_space<hbm>> -> memref<8x7808xf32, #tpu.memory_space<hbm>>
      %dma_start3A_78 = tpu.memref_slice %arg2[%mul3A_18, %add3A_77] : memref<32x1000000xf32, #tpu.memory_space<hbm>> -> memref<8x7808xf32, #tpu.memory_space<hbm>>
      tpu.enqueue_dma source(%dma_start3A_78 : memref<8x7808xf32, #tpu.memory_space<hbm>>) target(%arg4 : memref<8x7808xf32, #tpu.memory_space<vmem>>) target_semaphore(%arg7 : memref<!tpu.dma_semaphore, #tpu.memory_space<semaphore_mem>>)
      %mul3A_79 = arith.constant 7808 : i32
      %mul3A_80 = arith.muli %add3A_70, %mul3A_79 : i32
      %add3A_81 = arith.addi %mul3A_34, %mul3A_80 : i32
      %dma_start3A_82 = tpu.memref_slice %arg2[%mul3A_18, %add3A_81] : memref<32x1000000xf32, #tpu.memory_space<hbm>> -> memref<8x7808xf32, #tpu.memory_space<hbm>>
      %dma_start3A_83 = tpu.memref_slice %arg2[%mul3A_18, %add3A_81] : memref<32x1000000xf32, #tpu.memory_space<hbm>> -> memref<8x7808xf32, #tpu.memory_space<hbm>>
      tpu.enqueue_dma source(%dma_start3A_83 : memref<8x7808xf32, #tpu.memory_space<hbm>>) target(%arg5 : memref<8x7808xf32, #tpu.memory_space<vmem>>) target_semaphore(%arg8 : memref<!tpu.dma_semaphore, #tpu.memory_space<semaphore_mem>>)
      %dma_wait3A_84 = tpu.memref_slice %arg2[%mul3A_18, %add3A_77] : memref<32x1000000xf32, #tpu.memory_space<hbm>> -> memref<8x7808xf32, #tpu.memory_space<hbm>>
      %dma_wait3A_85 = tpu.memref_slice %arg2[%mul3A_18, %add3A_77] : memref<32x1000000xf32, #tpu.memory_space<hbm>> -> memref<8x7808xf32, #tpu.memory_space<hbm>>
      tpu.wait_dma2 semaphore(%arg7 : memref<!tpu.dma_semaphore, #tpu.memory_space<semaphore_mem>>) src(%dma_wait3A_85 : memref<8x7808xf32, #tpu.memory_space<hbm>>) dst(%arg4 : memref<8x7808xf32, #tpu.memory_space<vmem>>)
      %mul3A_86 = arith.constant 7808 : i32
      %mul3A_87 = arith.muli %mul3A_68, %mul3A_86 : i32
      %add3A_88 = arith.addi %mul3A_34, %mul3A_87 : i32
      %dma_start3A_89 = tpu.memref_slice %arg3[%mul3A_18, %add3A_88] : memref<32x1000000xf32, #tpu.memory_space<hbm>> -> memref<8x7808xf32, #tpu.memory_space<hbm>>
      %dma_start3A_90 = tpu.memref_slice %arg3[%mul3A_18, %add3A_88] : memref<32x1000000xf32, #tpu.memory_space<hbm>> -> memref<8x7808xf32, #tpu.memory_space<hbm>>
      tpu.enqueue_dma source(%arg4 : memref<8x7808xf32, #tpu.memory_space<vmem>>) target(%dma_start3A_90 : memref<8x7808xf32, #tpu.memory_space<hbm>>) target_semaphore(%arg9 : memref<!tpu.dma_semaphore, #tpu.memory_space<semaphore_mem>>)
      %dma_wait3A_91 = tpu.memref_slice %arg2[%mul3A_18, %add3A_81] : memref<32x1000000xf32, #tpu.memory_space<hbm>> -> memref<8x7808xf32, #tpu.memory_space<hbm>>
      %dma_wait3A_92 = tpu.memref_slice %arg2[%mul3A_18, %add3A_81] : memref<32x1000000xf32, #tpu.memory_space<hbm>> -> memref<8x7808xf32, #tpu.memory_space<hbm>>
      tpu.wait_dma2 semaphore(%arg8 : memref<!tpu.dma_semaphore, #tpu.memory_space<semaphore_mem>>) src(%dma_wait3A_92 : memref<8x7808xf32, #tpu.memory_space<hbm>>) dst(%arg5 : memref<8x7808xf32, #tpu.memory_space<vmem>>)
      %mul3A_93 = arith.constant 7808 : i32
      %mul3A_94 = arith.muli %add3A_70, %mul3A_93 : i32
      %add3A_95 = arith.addi %mul3A_34, %mul3A_94 : i32
      %dma_start3A_96 = tpu.memref_slice %arg3[%mul3A_18, %add3A_95] : memref<32x1000000xf32, #tpu.memory_space<hbm>> -> memref<8x7808xf32, #tpu.memory_space<hbm>>
      %dma_start3A_97 = tpu.memref_slice %arg3[%mul3A_18, %add3A_95] : memref<32x1000000xf32, #tpu.memory_space<hbm>> -> memref<8x7808xf32, #tpu.memory_space<hbm>>
      tpu.enqueue_dma source(%arg5 : memref<8x7808xf32, #tpu.memory_space<vmem>>) target(%dma_start3A_97 : memref<8x7808xf32, #tpu.memory_space<hbm>>) target_semaphore(%arg10 : memref<!tpu.dma_semaphore, #tpu.memory_space<semaphore_mem>>)
    }
    %scan3A_39 = arith.constant 8 : i32
    %add3A_40 = arith.constant 0 : i32
    %add3A_41 = arith.addi %mul3A_34, %add3A_40 : i32
    %dma_wait3A = tpu.memref_slice %arg3[%mul3A_18, %add3A_41] : memref<32x1000000xf32, #tpu.memory_space<hbm>> -> memref<8x7808xf32, #tpu.memory_space<hbm>>
    %dma_wait3A_42 = tpu.memref_slice %arg3[%mul3A_18, %add3A_41] : memref<32x1000000xf32, #tpu.memory_space<hbm>> -> memref<8x7808xf32, #tpu.memory_space<hbm>>
    tpu.wait_dma2 semaphore(%arg9 : memref<!tpu.dma_semaphore, #tpu.memory_space<semaphore_mem>>) src(%arg4 : memref<8x7808xf32, #tpu.memory_space<vmem>>) dst(%dma_wait3A_42 : memref<8x7808xf32, #tpu.memory_space<hbm>>)
    %add3A_43 = arith.constant 7808 : i32
    %add3A_44 = arith.addi %mul3A_34, %add3A_43 : i32
    %dma_wait3A_45 = tpu.memref_slice %arg3[%mul3A_18, %add3A_44] : memref<32x1000000xf32, #tpu.memory_space<hbm>> -> memref<8x7808xf32, #tpu.memory_space<hbm>>
    %dma_wait3A_46 = tpu.memref_slice %arg3[%mul3A_18, %add3A_44] : memref<32x1000000xf32, #tpu.memory_space<hbm>> -> memref<8x7808xf32, #tpu.memory_space<hbm>>
    tpu.wait_dma2 semaphore(%arg10 : memref<!tpu.dma_semaphore, #tpu.memory_space<semaphore_mem>>) src(%arg5 : memref<8x7808xf32, #tpu.memory_space<vmem>>) dst(%dma_wait3A_46 : memref<8x7808xf32, #tpu.memory_space<hbm>>)
    %jit3A_47 = arith.constant 8 : i32
    %eq3A_48 = arith.constant 0 : i32
    %eq3A_49 = arith.cmpi eq, %jit3A_47, %eq3A_48 : i32
    %jit3A_50 = arith.constant 1 : i32
    %select_n3A_51 = arith.select %eq3A_49, %jit3A_50, %jit3A_47 : i32
    %rem3A_52 = arith.remsi %add3A, %select_n3A_51 : i32
    %ne3A_53 = arith.constant 0 : i32
    %ne3A_54 = arith.cmpi ne, %rem3A_52, %ne3A_53 : i32
    %lt3A_55 = arith.constant 0 : i32
    %lt3A_56 = arith.cmpi slt, %rem3A_52, %lt3A_55 : i32
    %lt3A_57 = arith.constant 0 : i32
    %lt3A_58 = arith.cmpi slt, %select_n3A_51, %lt3A_57 : i32
    %ne3A_59 = arith.xori %lt3A_56, %lt3A_58 : i1
    %and3A_60 = arith.andi %ne3A_59, %ne3A_54 : i1
    %add3A_61 = arith.addi %rem3A_52, %select_n3A_51 : i32
    %select_n3A_62 = arith.select %and3A_60, %add3A_61, %rem3A_52 : i32
    %eq3A_63 = arith.constant 7 : i32
    %eq3A_64 = arith.cmpi eq, %select_n3A_62, %eq3A_63 : i32
    %convert_element_type3A = arith.extui %eq3A_64 : i1 to i32
    %cond3A = arith.constant 0 : i32
    %cond3A_65 = arith.cmpi ne, %convert_element_type3A, %cond3A : i32
    scf.if %cond3A_65 {
      "tpu.region"() ({
        %run_scoped3A = tpu.sem_alloc : memref<!tpu.dma_semaphore, #tpu.memory_space<semaphore_mem>>
        %dma_start3A = arith.constant 999424 : i32
        %dma_start3A_66 = tpu.memref_slice %arg2[%mul3A_18, %dma_start3A] : memref<32x1000000xf32, #tpu.memory_space<hbm>> -> memref<8x576xf32, #tpu.memory_space<hbm>>
        %dma_start3A_67 = arith.constant 999424 : i32
        %dma_start3A_68 = tpu.memref_slice %arg2[%mul3A_18, %dma_start3A_67] : memref<32x1000000xf32, #tpu.memory_space<hbm>> -> memref<8x576xf32, #tpu.memory_space<hbm>>
        tpu.enqueue_dma source(%dma_start3A_68 : memref<8x576xf32, #tpu.memory_space<hbm>>) target(%arg6 : memref<8x576xf32, #tpu.memory_space<vmem>>) target_semaphore(%run_scoped3A : memref<!tpu.dma_semaphore, #tpu.memory_space<semaphore_mem>>)
        %dma_wait3A_69 = arith.constant 999424 : i32
        %dma_wait3A_70 = tpu.memref_slice %arg2[%mul3A_18, %dma_wait3A_69] : memref<32x1000000xf32, #tpu.memory_space<hbm>> -> memref<8x576xf32, #tpu.memory_space<hbm>>
        %dma_wait3A_71 = arith.constant 999424 : i32
        %dma_wait3A_72 = tpu.memref_slice %arg2[%mul3A_18, %dma_wait3A_71] : memref<32x1000000xf32, #tpu.memory_space<hbm>> -> memref<8x576xf32, #tpu.memory_space<hbm>>
        tpu.wait_dma2 semaphore(%run_scoped3A : memref<!tpu.dma_semaphore, #tpu.memory_space<semaphore_mem>>) src(%dma_wait3A_72 : memref<8x576xf32, #tpu.memory_space<hbm>>) dst(%arg6 : memref<8x576xf32, #tpu.memory_space<vmem>>)
        tpu.yield
      }) : () -> ()
      "tpu.region"() ({
        %run_scoped3A = tpu.sem_alloc : memref<!tpu.dma_semaphore, #tpu.memory_space<semaphore_mem>>
        %dma_start3A = arith.constant 999424 : i32
        %dma_start3A_66 = tpu.memref_slice %arg3[%mul3A_18, %dma_start3A] : memref<32x1000000xf32, #tpu.memory_space<hbm>> -> memref<8x576xf32, #tpu.memory_space<hbm>>
        %dma_start3A_67 = arith.constant 999424 : i32
        %dma_start3A_68 = tpu.memref_slice %arg3[%mul3A_18, %dma_start3A_67] : memref<32x1000000xf32, #tpu.memory_space<hbm>> -> memref<8x576xf32, #tpu.memory_space<hbm>>
        tpu.enqueue_dma source(%arg6 : memref<8x576xf32, #tpu.memory_space<vmem>>) target(%dma_start3A_68 : memref<8x576xf32, #tpu.memory_space<hbm>>) target_semaphore(%run_scoped3A : memref<!tpu.dma_semaphore, #tpu.memory_space<semaphore_mem>>)
        %dma_wait3A_69 = arith.constant 999424 : i32
        %dma_wait3A_70 = tpu.memref_slice %arg3[%mul3A_18, %dma_wait3A_69] : memref<32x1000000xf32, #tpu.memory_space<hbm>> -> memref<8x576xf32, #tpu.memory_space<hbm>>
        %dma_wait3A_71 = arith.constant 999424 : i32
        %dma_wait3A_72 = tpu.memref_slice %arg3[%mul3A_18, %dma_wait3A_71] : memref<32x1000000xf32, #tpu.memory_space<hbm>> -> memref<8x576xf32, #tpu.memory_space<hbm>>
        tpu.wait_dma2 semaphore(%run_scoped3A : memref<!tpu.dma_semaphore, #tpu.memory_space<semaphore_mem>>) src(%arg6 : memref<8x576xf32, #tpu.memory_space<vmem>>) dst(%dma_wait3A_72 : memref<8x576xf32, #tpu.memory_space<hbm>>)
        tpu.yield
      }) : () -> ()
    } else {
    }
    return
  }
}

</mosaic_0001>

<sc_bundles>
// kernel: kernel.3.cloned.1.call-start
scs
__scs_entry_jumppad:
0x0: {  	(pc) =	sbr.rel $0x88, $3  }
0x1: {  	(tag) =	ssettag $0x0;
	lr =	simm.s32 $0x1  }
0x2: {  	[smem:$0x3FA0] =	sst lr;
	_ =	strace $0xD0000000  }
0x3: {  	_ = 	snop  }
0x4: {  	_ = 	snop  }
0x5: {  	_ = 	snop  }
0x6: {  	_ = 	snop  }
0x7: {  	_ = 	snop  }
__scs_overlays_trampoline_lowered:
0x8: {  	[smem:$0x3FAF] =	sst s0  }
0x9: {  	[smem:$0x3FB0] =	sst s1  }
0xa: {  	[smem:$0x3FB1] =	sst s2  }
0xb: {  	[smem:$0x3FB2] =	sst s3  }
0xc: {  	[smem:$0x3FB3] =	sst s4  }
0xd: {  	[smem:$0x3FB4] =	sst s5  }
0xe: {  	[smem:$0x3FB5] =	sst s6  }
0xf: {  	[smem:$0x3FB6] =	sst s7  }
0x10: {  	[smem:$0x3FB7] =	sst s8  }
0x11: {  	[smem:$0x3FB8] =	sst s9;
	s0 =	simm.s32 @!p0 $0x0  }
0x12: {  	s1 =	sld [smem:$0x3F9E];
	s0 =	simm.s32 @p0 $0x1  }
0x13: {  	[smem:$0x3FB9] =	sst s0;
	s0 =	simm.s32 @!p1 $0x0  }
0x14: {  	s2 =	sld [smem:$0x3F9D];
	s0 =	simm.s32 @p1 $0x1  }
0x15: {  	[smem:$0x3FBA] =	sst s0;
	s0 =	simm.s32 @!p2 $0x0  }
0x16: {  	s3 =	sld [smem:$0x3FDB];
	s0 =	simm.s32 @p2 $0x1  }
0x17: {  	s4 =	simm.s32 $0x1BF5;
	[smem:$0x3FBC] =	sst s0  }
0x18: {  	s0 =	sld [smem:$0x3F9F];
	_ =	swait.ge [sflag:s4], $0x0  }
0x19: {  	s7 =	sld [smem:$0x3FA0]  }
0x1a: {  	s8 =	sadd.s32 $0xFFFFE003, lr  }
0x1b: {  	s9 =	sadd.s32 $0xFFFFFEF7, lr;
	s5 =	simm.s32 $0xFFFFFFFF;
	p2 =	slt.u32 s8, $0xFFFFF086  }
0x1c: {  	p1 =	slt.u32 s9, $0xF7A;
	s5 =	simm.s32 @!p2 $0x0  }
0x1d: {  	s5 =	simm.s32 @p1 $0x1;
	p0 =	seq.s32 s7, s2  }
0x1e: {  	s7 =	smul.u32 @!p0 $0xF7A, s2;
	p2 =	seq.s32 @!p0 s5, $0x0  }
0x1f: {  	s9 =	smul.u32 $0xF7A, s1;
	s8 =	simm.s32 @!p0 $0x1BF5;
	p2 =	por !p2, p0  }
0x20: {  	[sflag:s8] =	ssyncset.s32 @!p0 $0xFFFFF086;
	s6 =	sadd.s32 @!p0 s3, s7;
	s7 =	simm.s32 @!p0 $0x108  }
0x21: {  	s3 =	sadd.s32 s3, s9;
	s6 =	sadd.s32 @!p0 $0x88, s6;
	s7 =	simm.s32 @p2 $0x1082  }
0x22: {  	[simem:s7], [sflag:s8] =	dma.local @!p0 [hbm:s6], $0xF7A  }
0x23: {  	s9 =	sor.u32 $0xD0000000, s2;
	s6 =	simm.s32 $0x108;
	_ =	swait.ge @!p0 [sflag:s8], $0x0  }
0x24: {  	s3 =	sadd.s32 $0x88, s3;
	s6 =	simm.s32 @!p1 $0x1082;
	[sflag:s4] =	ssyncset.s32 $0xFFFFF086  }
0x25: {  	[simem:s6], [sflag:s4] =	dma.local [hbm:s3], $0xF7A  }
0x26: {  	[smem:$0x3FA0] =	sst s1;
	(tag) =	ssettag s2;
	_ =	strace s9  }
0x27: {  	s1 =	sld [smem:$0x3FB0]  }
0x28: {  	s2 =	sld [smem:$0x3FB1]  }
0x29: {  	s4 =	sld [smem:$0x3FB3]  }
0x2a: {  	p0 =	seq.s32 s5, $0x0;
	s5 =	sld [smem:$0x3FB4]  }
0x2b: {  	s6 =	sld [smem:$0x3FB5]  }
0x2c: {  	s7 =	sld [smem:$0x3FB6]  }
0x2d: {  	s3 =	simm.s32 $0x108;
	s8 =	sld [smem:$0x3FB7]  }
0x2e: {  	s3 =	simm.s32 @!p0 $0x1082;
	s9 =	sld [smem:$0x3FB8]  }
0x2f: {  	lr =	sadd.s32 s0, s3;
	s0 =	sld [smem:$0x3FAF]  }
0x30: {  	s3 =	sld [smem:$0x3FB2]  }
0x31: {  	[smem:$0x3FBB] =	sst s10  }
0x32: {  	s10 =	sld [smem:$0x3FB9];
	_ =	sdelay $0x3  }
0x33: {  	p0 =	seq.s32 s10, $0x1;
	s10 =	sld [smem:$0x3FBB];
	_ =	sdelay $0x3  }
0x34: {  	[smem:$0x3FBB] =	sst s10  }
0x35: {  	s10 =	sld [smem:$0x3FBA];
	_ =	sdelay $0x3  }
0x36: {  	p1 =	seq.s32 s10, $0x1;
	s10 =	sld [smem:$0x3FBB];
	_ =	sdelay $0x3  }
0x37: {  	[smem:$0x3FBB] =	sst s10  }
0x38: {  	s10 =	sld [smem:$0x3FBC]  }
0x39: {  	_ = 	snop;
	(pc) =	sbr.ind lr, $3  }
0x3a: {  	_ = 	snop  }
0x3b: {  	_ = 	snop  }
0x3c: {  	p2 =	seq.s32 s10, $0x1;
	s10 =	sld [smem:$0x3FBB]  }
0x3d: {  	_ =	shalt  }
0x3e: {  	_ =	shalt  }
0x3f: {  	_ =	shalt  }
0x40: {  	_ =	shalt  }
0x41: {  	_ =	shalt  }
0x42: {  	_ =	shalt  }
0x43: {  	_ =	shalt  }
0x44: {  	_ =	shalt  }
0x45: {  	_ =	shalt  }
0x46: {  	_ =	shalt  }
0x47: {  	_ =	shalt  }
0x48: {  	_ =	shalt  }
0x49: {  	_ =	shalt  }
0x4a: {  	_ =	shalt  }
0x4b: {  	_ =	shalt  }
0x4c: {  	_ =	shalt  }
0x4d: {  	_ =	shalt  }
0x4e: {  	_ =	shalt  }
0x4f: {  	_ =	shalt  }
0x50: {  	_ =	shalt  }
0x51: {  	_ =	shalt  }
0x52: {  	_ =	shalt  }
0x53: {  	_ =	shalt  }
0x54: {  	_ =	shalt  }
0x55: {  	_ =	shalt  }
0x56: {  	_ =	shalt  }
0x57: {  	_ =	shalt  }
0x58: {  	_ =	shalt  }
0x59: {  	_ =	shalt  }
0x5a: {  	_ =	shalt  }
0x5b: {  	_ =	shalt  }
0x5c: {  	_ =	shalt  }
0x5d: {  	_ =	shalt  }
0x5e: {  	_ =	shalt  }
0x5f: {  	_ =	shalt  }
0x60: {  	_ =	shalt  }
0x61: {  	_ =	shalt  }
0x62: {  	_ =	shalt  }
0x63: {  	_ =	shalt  }
0x64: {  	_ =	shalt  }
0x65: {  	_ =	shalt  }
0x66: {  	_ =	shalt  }
0x67: {  	_ =	shalt  }
0x68: {  	_ =	shalt  }
0x69: {  	_ =	shalt  }
0x6a: {  	_ =	shalt  }
0x6b: {  	_ =	shalt  }
0x6c: {  	_ =	shalt  }
0x6d: {  	_ =	shalt  }
0x6e: {  	_ =	shalt  }
0x6f: {  	_ =	shalt  }
0x70: {  	_ =	shalt  }
0x71: {  	_ =	shalt  }
0x72: {  	_ =	shalt  }
0x73: {  	_ =	shalt  }
0x74: {  	_ =	shalt  }
0x75: {  	_ =	shalt  }
0x76: {  	_ =	shalt  }
0x77: {  	_ =	shalt  }
0x78: {  	_ =	shalt  }
0x79: {  	_ =	shalt  }
0x7a: {  	_ =	shalt  }
0x7b: {  	_ =	shalt  }
0x7c: {  	_ =	shalt  }
0x7d: {  	_ =	shalt  }
0x7e: {  	_ =	shalt  }
0x7f: {  	_ =	shalt  }
0x80: {  	_ =	shalt  }
0x81: {  	_ =	shalt  }
0x82: {  	_ =	shalt  }
0x83: {  	_ =	shalt  }
0x84: {  	_ =	shalt  }
0x85: {  	_ =	shalt  }
0x86: {  	_ =	shalt  }
0x87: {  	_ =	shalt  }
.Lfunc_end0:
.L_simem_size_0:
called_computation_lowered:
.L_overlay_start_0:
0x88: {  	s2 =	sld [smem:$0x3FD9]  }
0x89: {  	s3 =	sld [smem:$0x3FFE];
	_ =	sdelay $0x1  }
0x8a: {  	s1 =	srdreg.scid  }
0x8b: {  	s0 =	sand.u32 $0x1, s1  }
0x8c: {  	s18 =	sshll.u32 s0, $0xA;
	s2 =	sadd.s32 s3, s2  }
0x8d: {  	s2 =	sadd.s32 s2, s18  }
0x8e: {  	[smem:$0x3FC7] =	sst s2  }
0x8f: {  	_ = 	snop  }
0x90: {  	s2 =	sld [smem:$0x3FC9]  }
0x91: {  	s19 =	sld [smem:$0x3FD0];
	(tm) =	ssettm $0x1  }
0x92: {  	s4 =	sld [smem:$0x3FFB];
	_ =	sdelay $0x3  }
0x93: {  	_ =	strace s4  }
0x94: {  	s4 =	sld [smem:$0x3FFC];
	_ =	sdelay $0x3  }
0x95: {  	_ =	strace s4  }
0x96: {  	s4 =	sld [smem:$0x3FFD];
	_ =	sdelay $0x3  }
0x97: {  	_ =	strace s4  }
0x98: {  	_ =	strace $0x8FFFFFFF  }
0x99: {  	s20 =	sld [smem:$0x3FDB];
	_ =	sdelay $0x1  }
0x9a: {  	s5 =	simm.s32 $_scs_section_size  }
0x9b: {  	s6 =	simm.s32 $_size__tile_overlayer_lowered;
	s7 =	simm.s32 $_tile_overlayer_lowered  }
0x9c: {  	s23 =	simm.s32 $0x1BFF;
	s22 =	sshll.u32 s7, $0x1;
	s4 =	sadd.s32 s5, s20  }
0x9d: {  	s8 =	simm.s32 $0x0;
	s21 =	sshll.u32 s6, $0x1;
	s6 =	sadd.s32 s22, s4  }
0x9e: {  	[timem:s8], [sflag:s23] =	dma.local [hbm:s6], s21  }
0x9f: {  	_ =	swait.ge [sflag:s23], s21  }
0xa0: {  	s5 =	ssub.s32 $0x0, s21;
	[sflag:s23] =	ssyncset.done $0x0  }
0xa1: {  	[sflag:s23] =	ssyncadd.s32 s5;
	_ =	sdelay $0x1  }
0xa2: {  	s24 =	simm.s32 $0x1B8B  }
0xa3: {  	_ =	swait.ge [sflag:s24], $0x1  }
0xa4: {  	[sflag:s24] =	ssyncset.done $0x0  }
0xa5: {  	s25 =	simm.s32 $0x1B8E;
	[sflag:s24] =	ssyncadd.s32 $0xFFFFFFFF  }
0xa6: {  	s26 =	simm.s32 $execute0_lowered;
	[smem:$0x3FD2] =	sst s25  }
0xa7: {  	s5 =	sshll.u32 s26, $0x1;
	_ =	strace $0x80000046;
	[dreg:$0x1] =	wrdreg $0xFFFFFFFF  }
0xa8: {  	s28 =	simm.s32 $_size_execute0_lowered;
	s4 =	sadd.s32 s4, s5;
	[dreg:$0x0] =	wrdreg $0x0  }
0xa9: {  	s5 =	sshll.u32 s28, $0x1;
	[dreg:$0x2] =	wrdreg s4  }
0xaa: {  	[dreg:$0x3] =	wrdreg s5  }
0xab: {  	[dreg:$0x4] =	wrdreg $0xC0  }
0xac: {  	_ =	task [dreg:s8], $0x5FFFF  }
0xad: {  	[dreg:$0x1] =	wrdreg $0xFFFFFFFF  }
0xae: {  	[dreg:$0x0] =	wrdreg $0x60  }
0xaf: {  	[dreg:$0x2] =	wrdreg s2  }
0xb0: {  	[dreg:$0x3] =	wrdreg s19  }
0xb1: {  	[dreg:$0x4] =	wrdreg $0x9  }
0xb2: {  	_ =	task.clear_ibuf [dreg:s8], $0x5FFFF;
	_ =	strace $0x90000046  }
0xb3: {  	s29 =	simm.s32 $0x9;
	_ =	strace $0x80000048  }
0xb4: {  	_ =	swait.ge [sflag:s29], $0x1  }
0xb5: {  	[sflag:s29] =	ssyncadd.s32 $0xFFFFFFFF  }
0xb6: {  	_ =	strace $0x90000048  }
0xb7: {  	_ =	sfence  }
0xb8: {  	s30 =	sld [smem:$0x0];
	_ =	sdelay $0x2  }
0xb9: {  	s31 =	sshll.u32 s1, $0xD;
	s1 =	sshrl.u32 s1, $0x2  }
0xba: {  	s3 =	sand.u32 $0x4000, s31;
	s1 =	sadd.s32 s1, s30  }
0xbb: {  	s0 =	sor.u32 s3, s0;
	s1 =	sshll.u32 s1, $0x11  }
0xbc: {  	s0 =	sor.u32 s1, s0  }
0xbd: {  	s0 =	sadd.s32 $0x8F2B, s0  }
0xbe: {  	[sflag:s0] =	ssyncadd.remote.s32 $0x1  }
0xbf: {  	_ =	sfence.sel $0xFFFF  }
0xc0: {  	[dreg:$0x0] =	wrdreg $0xFFFFFFFF;
	(pc) =	sbr.abs _section_cstart, $3  }
0xc1: {  	[dreg:$0x1] =	wrdreg $0xFFFFFFFF  }
0xc2: {  	_ =	task.clear_ibuf [dreg:s8], $0x2FFFF;
	_ =	strace $0x9FFFFFFF  }
0xc3: {  	(tm) =	ssettm $0x7FFFFFFF  }
tec
execute0_lowered:
.L_overlay_start_1:
0x0: {  	(tag) =	ssettag $0x1  }
0x1: {  	s0 =	stileid.u32;
	s10 =	rddreg [dreg:$0x0]  }
0x2: {  	s1 =	srdreg.scid;
	s11 =	rddreg [dreg:$0x1]  }
0x3: {  	s16 =	simm.s32 $0x4;
	s2 =	sshll.u32 s0, $0x1;
	s3 =	sshrl.u32 s0, $0x2  }
0x4: {  	s9 =	sand.u32 $0x1, s1;
	s1 =	rddreg [dreg:$0x2];
	s5 =	smul.u32 $0x7A1400, s3  }
0x5: {  	s14 =	sand.u32 $0x3, s0;
	s28 =	sand.u32 $0x6, s2;
	s12 =	smul.u32 $0xF4280, s3  }
0x6: {  	s2 =	simm.s32 $0x0;
	s6 =	ssub.s32 $0x2, s9;
	s14 =	smul.u32 $0x3D000, s14  }
0x7: {  	s15 =	smul.u32 $0x1E800, s9;
	s17 =	sor.u32 s9, s28;
	[smem:$0x7FF] =	sst s2  }
0x8: {  	s29 =	sshrl.u32 s6, $0x1;
	s4 =	smul.u32 $0x1E800, s17;
	_ =	strace $0x80000047  }
0x9: {  	s5 =	sshrl.u32 s5, $0x3;
	s6 =	ssub.s32 s6, s29;
	p0 =	sne.s32 s17, $0x7  }
0xa: {  	s17 =	simm.s32 $0x0;
	s30 =	sadd.s32 $0xF4000, s5;
	s5 =	smax.u32 s6, $0x1  }
0xb: {  	s8 =	sadd.s32 s12, s4;
	s3 =	sadd.s32 s10, s30;
	s4 =	sadd.s32 s11, s30  }
0xc: {  	s13 =	sadd.s32 $0x1E80, s8;
	s6 =	sadd.s32 s10, s8;
	s8 =	sadd.s32 s11, s8  }
0xd: {  	s7 =	sadd.s32 s10, s13;
	s10 =	sadd.s32 s12, s10;
	s12 =	sadd.s32 s12, s11  }
0xe: {  	s9 =	sadd.s32 s11, s13;
	s13 =	simm.s32 $0x1;
	s10 =	sadd.s32 s14, s10  }
0xf: {  	s31 =	sadd.s32 s14, s12;
	s12 =	simm.s32 $0xF400;
	s14 =	simm.s32 $0x2  }
0x10: {  	s10 =	sadd.s32 s15, s10;
	s11 =	sadd.s32 s15, s31;
	s15 =	simm.s32 $0x3  }
.LBB2_1:
0x11: {  	[tilespmem:s2], [sflag:$0x1] =	stream.linear.gather [hbm4b:s6+s2], $0xF400, $0x38;
	[tilespmem:$0x1FC00] =	vst v63  }
0x12: {  	_ = 	snop  }
0x13: {  	[tilespmem:s12], [sflag:$0x2] =	stream.linear.gather [hbm4b:s7+s2], $0xF400, $0x38;
	[tilespmem:$0x1FC00] =	vst v63  }
0x14: {  	_ =	swait.ge [sflag:s13], $0xF400  }
0x15: {  	[sflag:s13] =	ssyncset.done $0x0  }
0x16: {  	[sflag:s13] =	ssyncadd.s32 $0xFFFF0C00  }
0x17: {  	[hbm4b:s8+s2] =	stream.linear.scatter [tilespmem:s2], [sflag:$0x3], $0xF400, $0x38;
	[tilespmem:$0x1FC00] =	vst v63  }
0x18: {  	_ =	swait.ge [sflag:s14], $0xF400  }
0x19: {  	[sflag:s14] =	ssyncset.done $0x0  }
0x1a: {  	[sflag:s14] =	ssyncadd.s32 $0xFFFF0C00  }
0x1b: {  	[hbm4b:s9+s2] =	stream.linear.scatter [tilespmem:s12], [sflag:$0x4], $0xF400, $0x38;
	[tilespmem:$0x1FC00] =	vst v63  }
0x1c: {  	_ =	swait.ge [sflag:s15], $0xF400  }
0x1d: {  	[sflag:s15] =	ssyncset.done $0x0  }
0x1e: {  	[sflag:s15] =	ssyncadd.s32 $0xFFFF0C00  }
0x1f: {  	_ =	swait.ge [sflag:s16], $0xF400  }
0x20: {  	s18 =	sadd.s32 $0x0, s10;
	[sflag:s16] =	ssyncset.done $0x0  }
0x21: {  	s19 =	sadd.s32 $0x3D00, s18;
	[sflag:s16] =	ssyncadd.s32 $0xFFFF0C00  }
0x22: {  	[tilespmem:s2], [sflag:$0x1] =	stream.linear.gather [hbm4b:s19+s2], $0xF400, $0x38;
	[tilespmem:$0x1FC00] =	vst v63  }
0x23: {  	s18 =	sadd.s32 $0x5B80, s18  }
0x24: {  	[tilespmem:s12], [sflag:$0x2] =	stream.linear.gather [hbm4b:s18+s2], $0xF400, $0x38;
	[tilespmem:$0x1FC00] =	vst v63  }
0x25: {  	_ =	swait.ge [sflag:s13], $0xF400  }
0x26: {  	s30 =	sadd.s32 $0x0, s11;
	[sflag:s13] =	ssyncset.done $0x0  }
0x27: {  	s31 =	sadd.s32 $0x3D00, s30;
	[sflag:s13] =	ssyncadd.s32 $0xFFFF0C00  }
0x28: {  	[hbm4b:s31+s2] =	stream.linear.scatter [tilespmem:s2], [sflag:$0x3], $0xF400, $0x38;
	[tilespmem:$0x1FC00] =	vst v63  }
0x29: {  	_ =	swait.ge [sflag:s14], $0xF400  }
0x2a: {  	[sflag:s14] =	ssyncset.done $0x0  }
0x2b: {  	s19 =	sadd.s32 $0x5B80, s30;
	s18 =	simm.s32 $0x3D00;
	[sflag:s14] =	ssyncadd.s32 $0xFFFF0C00  }
.LBB2_2:
0x2c: {  	[hbm4b:s19+s2] =	stream.linear.scatter [tilespmem:s12], [sflag:$0x4], $0xF400, $0x38;
	[tilespmem:$0x1FC00] =	vst v63  }
0x2d: {  	s19 =	smov.u32 s18  }
0x2e: {  	p1 =	sne.s32 s18, $0x16E00;
	s18 =	sadd.s32 $0x3D00, s18;
	_ =	swait.ge [sflag:s15], $0xF400  }
0x2f: {  	[sflag:s15] =	ssyncset.done $0x0  }
0x30: {  	[sflag:s15] =	ssyncadd.s32 $0xFFFF0C00  }
0x31: {  	_ =	swait.ge [sflag:s16], $0xF400  }
0x32: {  	s20 =	sadd.s32 s19, s10;
	[sflag:s16] =	ssyncset.done $0x0  }
0x33: {  	s21 =	sadd.s32 $0x3D00, s20;
	[sflag:s16] =	ssyncadd.s32 $0xFFFF0C00  }
0x34: {  	[tilespmem:s2], [sflag:$0x1] =	stream.linear.gather [hbm4b:s21+s2], $0xF400, $0x38;
	[tilespmem:$0x1FC00] =	vst v63  }
0x35: {  	s20 =	sadd.s32 $0x5B80, s20  }
0x36: {  	[tilespmem:s12], [sflag:$0x2] =	stream.linear.gather [hbm4b:s20+s2], $0xF400, $0x38;
	[tilespmem:$0x1FC00] =	vst v63  }
0x37: {  	_ =	swait.ge [sflag:s13], $0xF400  }
0x38: {  	s19 =	sadd.s32 s19, s11;
	[sflag:s13] =	ssyncset.done $0x0  }
.Ltmp0:
0x39: {  	s20 =	sadd.s32 $0x3D00, s19;
	[sflag:s13] =	ssyncadd.s32 $0xFFFF0C00;
	(pc) =	sbr.rel @p1 .LBB2_2-.Ltmp0, $4  }
0x3a: {  	[hbm4b:s20+s2] =	stream.linear.scatter [tilespmem:s2], [sflag:$0x3], $0xF400, $0x38;
	[tilespmem:$0x1FC00] =	vst v63  }
0x3b: {  	_ =	swait.ge [sflag:s14], $0xF400  }
0x3c: {  	[sflag:s14] =	ssyncset.done $0x0  }
0x3d: {  	s19 =	sadd.s32 $0x5B80, s19;
	[sflag:s14] =	ssyncadd.s32 $0xFFFF0C00  }
0x3e: {  	[hbm4b:s19+s2] =	stream.linear.scatter [tilespmem:s12], [sflag:$0x4], $0xF400, $0x38;
	[tilespmem:$0x1FC00] =	vst v63  }
0x3f: {  	_ =	swait.ge [sflag:s15], $0xF400  }
0x40: {  	[sflag:s15] =	ssyncset.done $0x0  }
0x41: {  	[sflag:s15] =	ssyncadd.s32 $0xFFFF0C00  }
0x42: {  	_ =	swait.ge [sflag:s16], $0xF400  }
0x43: {  	s18 =	simm.s32 @!p0 $0x0;
	[sflag:s16] =	ssyncset.done $0x0  }
0x44: {  	s19 =	simm.s32 @!p0 $0x1E800;
	s20 =	simm.s32 @!p0 $0x5;
	[sflag:s16] =	ssyncadd.s32 $0xFFFF0C00  }
0x45: {  	[tilespmem:s19], [sflag:$0x5] =	stream.linear.gather @!p0 [hbm4b:s3+s18], $0x1400, $0x38;
	[tilespmem:$0x1FC00] =	vst v63  }
0x46: {  	s17 =	sadd.s32 $0x1, s17;
	_ =	swait.ge @!p0 [sflag:s20], $0x1400  }
0x47: {  	p1 =	sne.s32 s17, s5;
	[sflag:s20] =	ssyncset.done @!p0 $0x0  }
.Ltmp1:
0x48: {  	[sflag:s20] =	ssyncadd.s32 @!p0 $0xFFFFEC00;
	(pc) =	sbr.rel @p1 .LBB2_1-.Ltmp1, $4  }
0x49: {  	[hbm4b:s4+s18] =	stream.linear.scatter @!p0 [tilespmem:s19], [sflag:$0x5], $0x1400, $0x38;
	[tilespmem:$0x1FC00] =	vst v63  }
0x4a: {  	_ =	swait.ge @!p0 [sflag:s20], $0x1400  }
0x4b: {  	[sflag:s20] =	ssyncset.done @!p0 $0x0  }
0x4c: {  	[sflag:s20] =	ssyncadd.s32 @!p0 $0xFFFFEC00  }
0x4d: {  	_ =	sfence.sel $0x180000  }
0x4e: {  	[bflag:$0x0] =	sbarrier.arrive $0xFFFF  }
0x4f: {  	p0 =	sne.s32 s0, $0x0;
	_ =	strace $0x90000047  }
0x50: {  	s0 =	sadd.s32 @!p0 $0x100000, s1;
	[bflag:$0x2] =	sbarrier.arrive $0xFFFF  }
0x51: {  	[sflag:s0] =	ssyncadd.tile.s32 @!p0 $0x1;
	_ =	shalt  }
.Lfunc_end2:
_tile_overlayer_lowered:
.L_overlay_start_2:
0x52: {  	(tag) =	ssettag $0x2  }
0x53: {  	s0 =	rddreg [dreg:$0x0];
	s2 =	stileid.u32  }
0x54: {  	s1 =	rddreg [dreg:$0x1];
	p0 =	sne.s32 s2, $0x0  }
0x55: {  	s3 =	rddreg [dreg:$0x2];
	[bflag:$0x3] =	sbarrier.arrive $0xFFFF;
	s2 =	simm.s32 @!p0 $0x1C05  }
0x56: {  	[timem:s3], [sflag:s2] =	dma.local @!p0 [hbm:s0], s1  }
0x57: {  	s0 =	simm.s32 @!p0 $0x5  }
0x58: {  	_ =	swait.ge @!p0 [sflag:s0], s1  }
0x59: {  	s1 =	ssub.s32 @!p0 $0x0, s1;
	[sflag:s0] =	ssyncset.done @!p0 $0x0  }
0x5a: {  	[sflag:s0] =	ssyncadd.s32 @!p0 s1  }
0x5b: {  	[bflag:$0x3] =	sbarrier.arrive $0xFFFF  }
0x5c: {  	_ =	shalt  }

</sc_bundles>
